<compile_context>
chip_gen: v7x
topology: tpu7x:2x2x1
jax: 0.10.2.dev20260603
libtpu: 0.0.44.dev20260713+nightly
codegen_flags: <defaults>
</compile_context>

<pallas_src>
import functools

import numpy as np
import jax
import jax.numpy as jnp
from jax import lax
from jax.experimental import pallas as pl
from jax.experimental.pallas import tpu as pltpu
from jax.experimental.pallas import tpu_sc as plsc

_B, _H, _W = 64, 50, 50
_P = _H * _W
_N = _B * _P
_UD = 32
_ROWS = 1
_PR = _ROWS * _W * _B


_NW = 32
_BPW = _N // _NW
_CHUNK = 1000


def _sc_gather_unit(table, idx_flat):
    mesh = plsc.VectorSubcoreMesh(core_axis_name="c", subcore_axis_name="s")

    @functools.partial(
        pl.kernel,
        mesh=mesh,
        out_type=jax.ShapeDtypeStruct((_N, _UD), jnp.float32),
        scratch_types=[
            pltpu.VMEM((_CHUNK,), jnp.int32),
            pltpu.VMEM((_CHUNK, _UD), jnp.float32),
            pltpu.SemaphoreType.DMA,
        ],
        compiler_params=pltpu.CompilerParams(use_tc_tiling_on_sc=False),
    )
    def k(table_hbm, idx_hbm, out_hbm, idx_v, rows_v, sem):
        wid = lax.axis_index("s") * 2 + lax.axis_index("c")
        base = wid * _BPW

        @pl.loop(0, _BPW, step=_CHUNK)
        def _(off):
            pltpu.sync_copy(idx_hbm.at[pl.ds(base + off, _CHUNK)], idx_v)
            pltpu.async_copy(table_hbm.at[idx_v], rows_v, sem).wait()
            pltpu.sync_copy(rows_v, out_hbm.at[pl.ds(base + off, _CHUNK)])

    return k(table, idx_flat)


_SIZES = [14, 14, 14, 14, 14, 14, 12, 12, 12, 12, 4, 4]
_L = sum(_SIZES)
_COLID = np.repeat(np.arange(12), _SIZES)
_VAL = np.concatenate([np.arange(s) for s in _SIZES])
_SCORE_OF_COL = np.array([-1, -1, 0, 1, 2, 3, 4, 5, 6, 7, 8, 9])
_SCORE = _SCORE_OF_COL[_COLID]
_GROUP_OF_COL = np.array([0, 0, 1, 1, 1, 1, 2, 2, 2, 2, 3, 3])
_GRP = _GROUP_OF_COL[_COLID]

_S_NP = (np.arange(12)[:, None] == _COLID[None, :]).astype(np.float32)
_VAL_NP = _VAL[None, :].astype(np.float32)
_SM_MASK_NP = (_SCORE[:, None] == np.arange(10)[None, :]).astype(np.float32)
_E_NP = (_SCORE[None, :] == np.arange(10)[:, None]).astype(np.float32)
_SETG = np.array([0, 0, 0, 0, 1, 1, 1, 1, 2, 2])
_G_NP = (_SETG[:, None] == np.arange(3)[None, :]).astype(np.float32)
_GT_NP = _G_NP.T.copy()
_THALF_NP = np.where(_GRP == 0, 0.5, 0.0)[None, :].astype(np.float32)
_COLSEL_NP = (_GRP[:, None] == np.arange(4)[None, :]).astype(np.float32)




def _assemble_body(t_ref, a_ref, r_ref, st_ref, mask_ref, num_ref, res_ref,
                   def_ref, mov_ref, mod_ref, uemb_ref, s_ref, val_ref,
                   sm_ref, e_ref, g_ref, gt_ref, thalf_ref, tall_ref,
                   out_ref):
    f32 = jnp.float32

    def tr(x):
        return jnp.swapaxes(x, 2, 3).reshape(_PR, x.shape[2])

    tf = tr(t_ref[...])
    af = tr(a_ref[...])
    rf = tr(r_ref[...])
    stf = tr(st_ref[...])
    mask = tr(mask_ref[...][:, :, None, :])

    s = s_ref[...]
    idx_wide = (
        jnp.dot(tf, s[0:2], preferred_element_type=f32)
        + jnp.dot(af, s[2:6], preferred_element_type=f32)
        + jnp.dot(rf, s[6:10], preferred_element_type=f32)
        + jnp.dot(stf, s[10:12], preferred_element_type=f32))
    oh = (jnp.abs(idx_wide - val_ref[...]) < 0.5).astype(f32)

    scores = jnp.dot(oh, sm_ref[...], preferred_element_type=f32)
    e = jnp.exp(scores)
    gs = jnp.dot(e, g_ref[...], preferred_element_type=f32)
    winv = jnp.dot(1.0 / gs, gt_ref[...], preferred_element_type=f32)
    w = e * winv * mask
    wex = (jnp.dot(w, e_ref[...], preferred_element_type=f32)
           + thalf_ref[...])
    dense = jnp.dot(oh * wex, tall_ref[...], preferred_element_type=f32)

    h = pl.program_id(0)
    r = lax.broadcasted_iota(jnp.int32, (_PR, 1), 0)
    px = ((r // _B) % _W).astype(f32) * (1.0 / _W)
    py = ((h * _ROWS + r // (_W * _B)).astype(f32)) * (1.0 / _H)

    res = jnp.concatenate([
        dense[:, 0:16], px, py,
        uemb_ref[...] * mask, tr(num_ref[...]) * mask,
        dense[:, 16:64],
        tr(res_ref[...]) * mask, tr(def_ref[...]) * mask,
        tr(mov_ref[...]) * (mask * 0.1),
        tr(mod_ref[...]),
    ], axis=1)
    out_ref[...] = res.reshape(_ROWS, _W, _B, 150)


def _assemble(tf, af, rf, stf, mask_t, num_t, res_t, def_t, mov_t, mod_t,
              uemb, s_m, val_m, sm_m, e_m, g_m, gt_m, thalf_m, tall_m,
              interpret=False):
    def row_spec(k):
        return pl.BlockSpec((_ROWS, _W, k, _B), lambda b: (b, 0, 0, 0))

    def full_spec(shape):
        return pl.BlockSpec(shape, lambda b: (0, 0))

    return pl.pallas_call(
        _assemble_body,
        grid=(_H // _ROWS,),
        in_specs=[
            row_spec(2), row_spec(4), row_spec(4), row_spec(2),
            pl.BlockSpec((_ROWS, _W, _B), lambda b: (b, 0, 0)),
            row_spec(11), row_spec(6), row_spec(16), row_spec(16),
            row_spec(3),
            pl.BlockSpec((_PR, _UD), lambda b: (b, 0)),
            full_spec((12, _L)), full_spec((1, _L)), full_spec((_L, 10)),
            full_spec((10, _L)), full_spec((10, 3)), full_spec((3, 10)),
            full_spec((1, _L)), full_spec((_L, 64)),
        ],
        out_specs=pl.BlockSpec((_ROWS, _W, _B, 150), lambda b: (b, 0, 0, 0)),
        out_shape=jax.ShapeDtypeStruct((_H, _W, _B, 150), jnp.float32),
        compiler_params=pltpu.CompilerParams(
            dimension_semantics=("parallel",)),
        interpret=interpret,
    )(tf, af, rf, stf, mask_t, num_t, res_t, def_t, mov_t, mod_t, uemb,
      s_m, val_m, sm_m, e_m, g_m, gt_m, thalf_m, tall_m)


def _prep_constants(terrain_table, ability_table, trait_table, status_table,
                    ability_query, trait_query, status_query):
    f32 = jnp.float32
    sv_a = jnp.einsum("rd,d->r", ability_table, ability_query)
    sv_r = jnp.einsum("rd,d->r", trait_table, trait_query)
    sv_s = jnp.einsum("rd,d->r", status_table, status_query)
    sv_cat = jnp.concatenate([
        jnp.zeros((28,), f32),
        jnp.tile(sv_a, 4), jnp.tile(sv_r, 4), jnp.tile(sv_s, 2),
    ])
    sm_m = sv_cat[:, None] * jnp.asarray(_SM_MASK_NP)

    r_stack = jnp.concatenate(
        [terrain_table] * 2 + [ability_table] * 4 + [trait_table] * 4
        + [status_table] * 2, axis=0)
    tall_m = (r_stack[:, None, :]
              * jnp.asarray(_COLSEL_NP)[:, :, None]).reshape(_L, 64)
    return sm_m, tall_m


def kernel(terrain_idx, unit_type_idx, ability_idx, trait_idx, status_idx,
           unit_mask, numerical, resistances, defenses, movement_costs,
           modifier_flags, terrain_table, unit_type_table, ability_table,
           trait_table, status_table, ability_query, trait_query,
           status_query):
    f32 = jnp.float32

    idx_hex_major = jnp.transpose(unit_type_idx, (1, 2, 0)).reshape(_N)
    uemb = _sc_gather_unit(unit_type_table, idx_hex_major)

    def tview(x):
        return jnp.transpose(x, (1, 2, 3, 0))

    sm_m, tall_m = _prep_constants(
        terrain_table, ability_table, trait_table, status_table,
        ability_query, trait_query, status_query)

    out = _assemble(
        tview(terrain_idx).astype(f32),
        tview(ability_idx).astype(f32),
        tview(trait_idx).astype(f32),
        tview(status_idx).astype(f32),
        jnp.transpose(unit_mask, (1, 2, 0)),
        tview(numerical), tview(resistances), tview(defenses),
        tview(movement_costs), tview(modifier_flags),
        uemb,
        jnp.asarray(_S_NP), jnp.asarray(_VAL_NP), sm_m,
        jnp.asarray(_E_NP), jnp.asarray(_G_NP), jnp.asarray(_GT_NP),
        jnp.asarray(_THALF_NP), tall_m,
    )
    return jnp.transpose(out, (2, 0, 1, 3))

# --- scband reference (transcript-rebuilt; emitter-appended) ---
"""Pipeline reference for scband-game-state-encoder-50139448213608 (READ-ONLY COPY).

The authoritative reference and input builder live on the scoring server;
editing this copy changes nothing except your own understanding.
"""

import jax, jax.numpy as jnp
import numpy as np

B, H, W = 64, 50, 50
TD, UD, SD = 16, 32, 16
NUM_UNIT_TYPES = 512

def setup_inputs(seed: int = 0):
    key = jax.random.key(seed)
    ks = jax.random.split(key, 20)
    inp = {}
    inp['terrain_idx'] = jax.random.randint(ks[0], (B, H, W, 2), 0, 14)
    inp['unit_type_idx'] = jax.random.randint(ks[1], (B, H, W), 0, NUM_UNIT_TYPES)
    inp['ability_idx'] = jax.random.randint(ks[2], (B, H, W, 4), 0, 14)
    inp['trait_idx'] = jax.random.randint(ks[3], (B, H, W, 4), 0, 12)
    inp['status_idx'] = jax.random.randint(ks[4], (B, H, W, 2), 0, 4)
    inp['unit_mask'] = jax.random.uniform(ks[5], (B, H, W), dtype=jnp.float32)
    inp['numerical'] = jax.random.uniform(ks[6], (B, H, W, 11), dtype=jnp.float32)
    inp['resistances'] = jax.random.normal(ks[7], (B, H, W, 6), dtype=jnp.float32)
    inp['defenses'] = jax.random.normal(ks[8], (B, H, W, 16), dtype=jnp.float32)
    inp['movement_costs'] = jax.random.uniform(ks[9], (B, H, W, 16), dtype=jnp.float32)
    inp['modifier_flags'] = jax.random.uniform(ks[10], (B, H, W, 3), dtype=jnp.float32)
    inp['terrain_table'] = jax.random.normal(ks[11], (14, TD), dtype=jnp.float32)
    inp['unit_type_table'] = jax.random.normal(ks[12], (NUM_UNIT_TYPES, UD), dtype=jnp.float32)
    inp['ability_table'] = jax.random.normal(ks[13], (14, SD), dtype=jnp.float32)
    inp['trait_table'] = jax.random.normal(ks[14], (12, SD), dtype=jnp.float32)
    inp['status_table'] = jax.random.normal(ks[15], (4, SD), dtype=jnp.float32)
    inp['ability_query'] = jax.random.normal(ks[16], (SD,), dtype=jnp.float32)
    inp['trait_query'] = jax.random.normal(ks[17], (SD,), dtype=jnp.float32)
    inp['status_query'] = jax.random.normal(ks[18], (SD,), dtype=jnp.float32)
    return inp

def _attn_pool(table, idx, query):
    # embedding gather per set element, then attention pooling over the set
    embs = jnp.take(table, idx, axis=0)              # [B,H,W,K,D]
    scores = jnp.einsum('...kd,d->...k', embs, query)
    weights = jax.nn.softmax(scores, axis=-1)
    return jnp.einsum('...k,...kd->...d', weights, embs)

def reference(terrain_idx, unit_type_idx, ability_idx, trait_idx, status_idx, unit_mask, numerical, resistances, defenses, movement_costs, modifier_flags, terrain_table, unit_type_table, ability_table, trait_table, status_table, ability_query, trait_query, status_query):
    # terrain: gather + mean over per-hex terrain set (encode_hex)
    terrain_emb = jnp.take(terrain_table, terrain_idx, axis=0).mean(axis=-2)
    # position encoding [x/map_width, y/map_height]
    xs = jnp.arange(W, dtype=jnp.float32) / W
    ys = jnp.arange(H, dtype=jnp.float32) / H
    px, py = jnp.broadcast_arrays(xs[None, :], ys[:, None])
    pos_enc = jnp.broadcast_to(jnp.stack([px, py], axis=-1), (terrain_idx.shape[0], H, W, 2))
    # unit encoding (encode_unit): type embedding + numerical + attention-pooled specials + stats
    unit_type_emb = jnp.take(unit_type_table, unit_type_idx, axis=0)
    special = jnp.concatenate([
        _attn_pool(ability_table, ability_idx, ability_query),
        _attn_pool(trait_table, trait_idx, trait_query),
        _attn_pool(status_table, status_idx, status_query)], axis=-1)
    unit_enc = jnp.concatenate([unit_type_emb, numerical, special, resistances, defenses, movement_costs / 10.0], axis=-1)
    # hexes without a unit get zero unit encoding -> multiplicative mask
    unit_enc = unit_enc * unit_mask[..., None]
    map_representation = jnp.concatenate([terrain_emb, pos_enc, unit_enc, modifier_flags], axis=-1)
    return map_representation

if __name__ == "__main__":
    import jax
    _d = setup_inputs()
    print(jax.jit(kernel)(*tuple(_d.values())))

</pallas_src>

<mosaic_0001>
#map = affine_map<(d0, d1) -> (0, 0)>
#map1 = affine_map<(d0, d1) -> (0)>
module attributes {stable_mosaic.version = 14 : i64} {
  func.func @k(%arg0: i32, %arg1: i32, %arg2: memref<512x32xf32, #tpu.memory_space<hbm>>, %arg3: memref<160000xi32, #tpu.memory_space<hbm>>, %arg4: memref<160000x32xf32, #tpu.memory_space<hbm>>, %arg5: memref<1000xi32, #tpu.memory_space<vmem>>, %arg6: memref<1000x32xf32, #tpu.memory_space<vmem>>, %arg7: memref<!tpu.dma_semaphore, #tpu.memory_space<semaphore_mem>>) attributes {dimension_semantics = [#tpu.dimension_semantics<core_parallel>, #tpu.dimension_semantics<subcore_parallel>], iteration_bounds = array<i64: 2, 16>, scalar_prefetch = 0 : i64, scratch_operands = 3 : i64, tpu.core_type = #tpu.core_type<sc_vector_subcore>, window_params = [{transform_indices = #map}, {transform_indices = #map1}, {transform_indices = #map}]} {
    %mul3A = arith.constant 2 : i32
    %mul3A_0 = arith.muli %arg1, %mul3A : i32
    %add3A = arith.addi %mul3A_0, %arg0 : i32
    %mul3A_1 = arith.constant 5000 : i32
    %mul3A_2 = arith.muli %add3A, %mul3A_1 : i32
    %scan3A = arith.constant 0 : i32
    %scan3A_3 = arith.constant 5 : i32
    %scan3A_4 = arith.addi %scan3A, %scan3A_3 : i32
    %scan3A_5 = arith.constant 1 : i32
    scf.for %scan3A_7 = %scan3A to %scan3A_4 step %scan3A_5  : i32 {
      %mul3A_8 = arith.constant 1000 : i32
      %mul3A_9 = arith.muli %scan3A_7, %mul3A_8 : i32
      %add3A_10 = arith.constant 0 : i32
      %add3A_11 = arith.addi %add3A_10, %mul3A_9 : i32
      %add3A_12 = arith.addi %mul3A_2, %add3A_11 : i32
      "tpu.region"() ({
        %run_scoped3A = tpu.sem_alloc : memref<!tpu.dma_semaphore, #tpu.memory_space<semaphore_mem>>
        %dma_start3A_18 = tpu.memref_slice %arg3[%add3A_12] : memref<160000xi32, #tpu.memory_space<hbm>> -> memref<1000xi32, #tpu.memory_space<hbm>>
        %dma_start3A_19 = tpu.memref_slice %arg3[%add3A_12] : memref<160000xi32, #tpu.memory_space<hbm>> -> memref<1000xi32, #tpu.memory_space<hbm>>
        tpu.enqueue_dma source(%dma_start3A_19 : memref<1000xi32, #tpu.memory_space<hbm>>) target(%arg5 : memref<1000xi32, #tpu.memory_space<vmem>>) target_semaphore(%run_scoped3A : memref<!tpu.dma_semaphore, #tpu.memory_space<semaphore_mem>>)
        %dma_wait3A_20 = tpu.memref_slice %arg3[%add3A_12] : memref<160000xi32, #tpu.memory_space<hbm>> -> memref<1000xi32, #tpu.memory_space<hbm>>
        %dma_wait3A_21 = tpu.memref_slice %arg3[%add3A_12] : memref<160000xi32, #tpu.memory_space<hbm>> -> memref<1000xi32, #tpu.memory_space<hbm>>
        tpu.wait_dma2 semaphore(%run_scoped3A : memref<!tpu.dma_semaphore, #tpu.memory_space<semaphore_mem>>) src(%dma_wait3A_21 : memref<1000xi32, #tpu.memory_space<hbm>>) dst(%arg5 : memref<1000xi32, #tpu.memory_space<vmem>>)
        tpu.yield
      }) : () -> ()
      %dma_start3A = arith.constant 0 : i32
      %dma_start3A_13 = arith.constant 0 : i32
      %dma_start3A_14 = tpu.memref_slice %arg2[%dma_start3A, %dma_start3A_13] : memref<512x32xf32, #tpu.memory_space<hbm>> -> memref<512x32xf32, #tpu.memory_space<hbm>>
      tpu.enqueue_indirect_dma source(%dma_start3A_14 : memref<512x32xf32, #tpu.memory_space<hbm>>) target(%arg6 : memref<1000x32xf32, #tpu.memory_space<vmem>>) offsets(%arg5 : memref<1000xi32, #tpu.memory_space<vmem>>) semaphore(%arg7 : memref<!tpu.dma_semaphore, #tpu.memory_space<semaphore_mem>>)
      %dma_wait3A = arith.constant 0 : i32
      %dma_wait3A_15 = arith.constant 0 : i32
      %dma_wait3A_16 = tpu.memref_slice %arg2[%dma_wait3A, %dma_wait3A_15] : memref<512x32xf32, #tpu.memory_space<hbm>> -> memref<512x32xf32, #tpu.memory_space<hbm>>
      tpu.wait_indirect_dma semaphore(%arg7 : memref<!tpu.dma_semaphore, #tpu.memory_space<semaphore_mem>>) src(%dma_wait3A_16 : memref<512x32xf32, #tpu.memory_space<hbm>>) dst(%arg6 : memref<1000x32xf32, #tpu.memory_space<vmem>>)
      %add3A_17 = arith.addi %mul3A_2, %add3A_11 : i32
      "tpu.region"() ({
        %run_scoped3A = tpu.sem_alloc : memref<!tpu.dma_semaphore, #tpu.memory_space<semaphore_mem>>
        %dma_start3A_18 = arith.constant 0 : i32
        %dma_start3A_19 = tpu.memref_slice %arg4[%add3A_17, %dma_start3A_18] : memref<160000x32xf32, #tpu.memory_space<hbm>> -> memref<1000x32xf32, #tpu.memory_space<hbm>>
        %dma_start3A_20 = arith.constant 0 : i32
        %dma_start3A_21 = tpu.memref_slice %arg4[%add3A_17, %dma_start3A_20] : memref<160000x32xf32, #tpu.memory_space<hbm>> -> memref<1000x32xf32, #tpu.memory_space<hbm>>
        tpu.enqueue_dma source(%arg6 : memref<1000x32xf32, #tpu.memory_space<vmem>>) target(%dma_start3A_21 : memref<1000x32xf32, #tpu.memory_space<hbm>>) target_semaphore(%run_scoped3A : memref<!tpu.dma_semaphore, #tpu.memory_space<semaphore_mem>>)
        %dma_wait3A_22 = arith.constant 0 : i32
        %dma_wait3A_23 = tpu.memref_slice %arg4[%add3A_17, %dma_wait3A_22] : memref<160000x32xf32, #tpu.memory_space<hbm>> -> memref<1000x32xf32, #tpu.memory_space<hbm>>
        %dma_wait3A_24 = arith.constant 0 : i32
        %dma_wait3A_25 = tpu.memref_slice %arg4[%add3A_17, %dma_wait3A_24] : memref<160000x32xf32, #tpu.memory_space<hbm>> -> memref<1000x32xf32, #tpu.memory_space<hbm>>
        tpu.wait_dma2 semaphore(%run_scoped3A : memref<!tpu.dma_semaphore, #tpu.memory_space<semaphore_mem>>) src(%arg6 : memref<1000x32xf32, #tpu.memory_space<vmem>>) dst(%dma_wait3A_25 : memref<1000x32xf32, #tpu.memory_space<hbm>>)
        tpu.yield
      }) : () -> ()
    }
    %scan3A_6 = arith.constant 5 : i32
    return
  }
}

module attributes {stable_mosaic.version = 14 : i64} {
  func.func @_assemble_body(%arg0: i32, %arg1: memref<1x50x2x64xf32, #tpu.memory_space<vmem>>, %arg2: memref<1x50x4x64xf32, #tpu.memory_space<vmem>>, %arg3: memref<1x50x4x64xf32, #tpu.memory_space<vmem>>, %arg4: memref<1x50x2x64xf32, #tpu.memory_space<vmem>>, %arg5: memref<1x50x64xf32, #tpu.memory_space<vmem>>, %arg6: memref<1x50x11x64xf32, #tpu.memory_space<vmem>>, %arg7: memref<1x50x6x64xf32, #tpu.memory_space<vmem>>, %arg8: memref<1x50x16x64xf32, #tpu.memory_space<vmem>>, %arg9: memref<1x50x16x64xf32, #tpu.memory_space<vmem>>, %arg10: memref<1x50x3x64xf32, #tpu.memory_space<vmem>>, %arg11: memref<3200x32xf32, #tpu.memory_space<vmem>>, %arg12: memref<12x140xf32, #tpu.memory_space<vmem>>, %arg13: memref<1x140xf32, #tpu.memory_space<vmem>>, %arg14: memref<140x10xf32, #tpu.memory_space<vmem>>, %arg15: memref<10x140xf32, #tpu.memory_space<vmem>>, %arg16: memref<10x3xf32, #tpu.memory_space<vmem>>, %arg17: memref<3x10xf32, #tpu.memory_space<vmem>>, %arg18: memref<1x140xf32, #tpu.memory_space<vmem>>, %arg19: memref<140x64xf32, #tpu.memory_space<vmem>>, %arg20: memref<1x50x64x150xf32, #tpu.memory_space<vmem>>) attributes {dimension_semantics = [#tpu.dimension_semantics<parallel>], iteration_bounds = array<i64: 50>, scalar_prefetch = 0 : i64, scratch_operands = 0 : i64, tpu.core_type = #tpu.core_type<tc>, window_params = [{transform_indices = @transform_0, window_bounds = array<i64: 1, 50, 2, 64>}, {transform_indices = @transform_1, window_bounds = array<i64: 1, 50, 4, 64>}, {transform_indices = @transform_2, window_bounds = array<i64: 1, 50, 4, 64>}, {transform_indices = @transform_3, window_bounds = array<i64: 1, 50, 2, 64>}, {transform_indices = @transform_4, window_bounds = array<i64: 1, 50, 64>}, {transform_indices = @transform_5, window_bounds = array<i64: 1, 50, 11, 64>}, {transform_indices = @transform_6, window_bounds = array<i64: 1, 50, 6, 64>}, {transform_indices = @transform_7, window_bounds = array<i64: 1, 50, 16, 64>}, {transform_indices = @transform_8, window_bounds = array<i64: 1, 50, 16, 64>}, {transform_indices = @transform_9, window_bounds = array<i64: 1, 50, 3, 64>}, {transform_indices = @transform_10, window_bounds = array<i64: 3200, 32>}, {pipeline_mode = #tpu.pipeline_mode<synchronous>, transform_indices = @transform_11, window_bounds = array<i64: 12, 140>}, {pipeline_mode = #tpu.pipeline_mode<synchronous>, transform_indices = @transform_12, window_bounds = array<i64: 1, 140>}, {pipeline_mode = #tpu.pipeline_mode<synchronous>, transform_indices = @transform_13, window_bounds = array<i64: 140, 10>}, {pipeline_mode = #tpu.pipeline_mode<synchronous>, transform_indices = @transform_14, window_bounds = array<i64: 10, 140>}, {pipeline_mode = #tpu.pipeline_mode<synchronous>, transform_indices = @transform_15, window_bounds = array<i64: 10, 3>}, {pipeline_mode = #tpu.pipeline_mode<synchronous>, transform_indices = @transform_16, window_bounds = array<i64: 3, 10>}, {pipeline_mode = #tpu.pipeline_mode<synchronous>, transform_indices = @transform_17, window_bounds = array<i64: 1, 140>}, {pipeline_mode = #tpu.pipeline_mode<synchronous>, transform_indices = @transform_18, window_bounds = array<i64: 140, 64>}, {transform_indices = @transform_19, window_bounds = array<i64: 1, 50, 64, 150>}]} {
    %get3A = arith.constant 0 : index
    %get3A_0 = arith.constant 0 : index
    %get3A_1 = arith.constant 0 : index
    %get3A_2 = arith.constant 0 : index
    %get3A_3 = vector.load %arg1[%get3A, %get3A_0, %get3A_1, %get3A_2] : memref<1x50x2x64xf32, #tpu.memory_space<vmem>>, vector<1x50x2x64xf32>
    %transpose3A = tpu.transpose %get3A_3, [0, 1, 3, 2] : vector<1x50x2x64xf32> -> vector<1x50x64x2xf32>
    %reshape3A = vector.shape_cast %transpose3A : vector<1x50x64x2xf32> to vector<3200x2xf32>
    %get3A_4 = arith.constant 0 : index
    %get3A_5 = arith.constant 0 : index
    %get3A_6 = arith.constant 0 : index
    %get3A_7 = arith.constant 0 : index
    %get3A_8 = vector.load %arg2[%get3A_4, %get3A_5, %get3A_6, %get3A_7] : memref<1x50x4x64xf32, #tpu.memory_space<vmem>>, vector<1x50x4x64xf32>
    %transpose3A_9 = tpu.transpose %get3A_8, [0, 1, 3, 2] : vector<1x50x4x64xf32> -> vector<1x50x64x4xf32>
    %reshape3A_10 = vector.shape_cast %transpose3A_9 : vector<1x50x64x4xf32> to vector<3200x4xf32>
    %get3A_11 = arith.constant 0 : index
    %get3A_12 = arith.constant 0 : index
    %get3A_13 = arith.constant 0 : index
    %get3A_14 = arith.constant 0 : index
    %get3A_15 = vector.load %arg3[%get3A_11, %get3A_12, %get3A_13, %get3A_14] : memref<1x50x4x64xf32, #tpu.memory_space<vmem>>, vector<1x50x4x64xf32>
    %transpose3A_16 = tpu.transpose %get3A_15, [0, 1, 3, 2] : vector<1x50x4x64xf32> -> vector<1x50x64x4xf32>
    %reshape3A_17 = vector.shape_cast %transpose3A_16 : vector<1x50x64x4xf32> to vector<3200x4xf32>
    %get3A_18 = arith.constant 0 : index
    %get3A_19 = arith.constant 0 : index
    %get3A_20 = arith.constant 0 : index
    %get3A_21 = arith.constant 0 : index
    %get3A_22 = vector.load %arg4[%get3A_18, %get3A_19, %get3A_20, %get3A_21] : memref<1x50x2x64xf32, #tpu.memory_space<vmem>>, vector<1x50x2x64xf32>
    %transpose3A_23 = tpu.transpose %get3A_22, [0, 1, 3, 2] : vector<1x50x2x64xf32> -> vector<1x50x64x2xf32>
    %reshape3A_24 = vector.shape_cast %transpose3A_23 : vector<1x50x64x2xf32> to vector<3200x2xf32>
    %get3A_25 = arith.constant 0 : index
    %get3A_26 = arith.constant 0 : index
    %get3A_27 = arith.constant 0 : index
    %get3A_28 = vector.load %arg5[%get3A_25, %get3A_26, %get3A_27] : memref<1x50x64xf32, #tpu.memory_space<vmem>>, vector<1x50x64xf32>
    %broadcast_in_dim3A = vector.shape_cast %get3A_28 : vector<1x50x64xf32> to vector<1x50x1x64xf32>
    %transpose3A_29 = tpu.transpose %broadcast_in_dim3A, [0, 1, 3, 2] : vector<1x50x1x64xf32> -> vector<1x50x64x1xf32>
    %reshape3A_30 = vector.shape_cast %transpose3A_29 : vector<1x50x64x1xf32> to vector<3200x1xf32>
    %get3A_31 = arith.constant 0 : index
    %get3A_32 = arith.constant 0 : index
    %get3A_33 = vector.load %arg12[%get3A_31, %get3A_32] : memref<12x140xf32, #tpu.memory_space<vmem>>, vector<12x140xf32>
    %slice3A = vector.extract_strided_slice %get3A_33 {offsets = [0, 0], sizes = [2, 140], strides = [1, 1]} : vector<12x140xf32> to vector<2x140xf32>
    %dot_general3A = arith.constant dense<0.000000e+00> : vector<3200x140xf32>
    %dot_general3A_34 = tpu.matmul %reshape3A, %slice3A, %dot_general3A {dimension_numbers = #tpu.dot_dimension_numbers<[1], [0], [0], [1], [0, 0, 1, 1], [], []>, transpose_lhs_hint = false} : vector<3200x2xf32>, vector<2x140xf32>, vector<3200x140xf32> -> vector<3200x140xf32>
    %slice3A_35 = vector.extract_strided_slice %get3A_33 {offsets = [2, 0], sizes = [4, 140], strides = [1, 1]} : vector<12x140xf32> to vector<4x140xf32>
    %dot_general3A_36 = arith.constant dense<0.000000e+00> : vector<3200x140xf32>
    %dot_general3A_37 = tpu.matmul %reshape3A_10, %slice3A_35, %dot_general3A_36 {dimension_numbers = #tpu.dot_dimension_numbers<[1], [0], [0], [1], [0, 0, 1, 1], [], []>, transpose_lhs_hint = false} : vector<3200x4xf32>, vector<4x140xf32>, vector<3200x140xf32> -> vector<3200x140xf32>
    %add3A = arith.addf %dot_general3A_34, %dot_general3A_37 : vector<3200x140xf32>
    %slice3A_38 = vector.extract_strided_slice %get3A_33 {offsets = [6, 0], sizes = [4, 140], strides = [1, 1]} : vector<12x140xf32> to vector<4x140xf32>
    %dot_general3A_39 = arith.constant dense<0.000000e+00> : vector<3200x140xf32>
    %dot_general3A_40 = tpu.matmul %reshape3A_17, %slice3A_38, %dot_general3A_39 {dimension_numbers = #tpu.dot_dimension_numbers<[1], [0], [0], [1], [0, 0, 1, 1], [], []>, transpose_lhs_hint = false} : vector<3200x4xf32>, vector<4x140xf32>, vector<3200x140xf32> -> vector<3200x140xf32>
    %add3A_41 = arith.addf %add3A, %dot_general3A_40 : vector<3200x140xf32>
    %slice3A_42 = vector.extract_strided_slice %get3A_33 {offsets = [10, 0], sizes = [2, 140], strides = [1, 1]} : vector<12x140xf32> to vector<2x140xf32>
    %dot_general3A_43 = arith.constant dense<0.000000e+00> : vector<3200x140xf32>
    %dot_general3A_44 = tpu.matmul %reshape3A_24, %slice3A_42, %dot_general3A_43 {dimension_numbers = #tpu.dot_dimension_numbers<[1], [0], [0], [1], [0, 0, 1, 1], [], []>, transpose_lhs_hint = false} : vector<3200x2xf32>, vector<2x140xf32>, vector<3200x140xf32> -> vector<3200x140xf32>
    %add3A_45 = arith.addf %add3A_41, %dot_general3A_44 : vector<3200x140xf32>
    %get3A_46 = arith.constant 0 : index
    %get3A_47 = arith.constant 0 : index
    %get3A_48 = vector.load %arg13[%get3A_46, %get3A_47] : memref<1x140xf32, #tpu.memory_space<vmem>>, vector<1x140xf32>
    %sub3A = vector.broadcast %get3A_48 : vector<1x140xf32> to vector<3200x140xf32>
    %sub3A_49 = arith.subf %add3A_45, %sub3A : vector<3200x140xf32>
    %abs3A = math.absf %sub3A_49 : vector<3200x140xf32>
    %lt3A = arith.constant 5.000000e-01 : f32
    %lt3A_50 = vector.broadcast %lt3A : f32 to vector<3200x140xf32>
    %lt3A_51 = arith.cmpf olt, %abs3A, %lt3A_50 : vector<3200x140xf32>
    %convert_element_type3A = arith.extui %lt3A_51 : vector<3200x140xi1> to vector<3200x140xi32>
    %convert_element_type3A_52 = arith.sitofp %convert_element_type3A : vector<3200x140xi32> to vector<3200x140xf32>
    %get3A_53 = arith.constant 0 : index
    %get3A_54 = arith.constant 0 : index
    %get3A_55 = vector.load %arg14[%get3A_53, %get3A_54] : memref<140x10xf32, #tpu.memory_space<vmem>>, vector<140x10xf32>
    %dot_general3A_56 = arith.constant dense<0.000000e+00> : vector<3200x10xf32>
    %dot_general3A_57 = tpu.matmul %convert_element_type3A_52, %get3A_55, %dot_general3A_56 {dimension_numbers = #tpu.dot_dimension_numbers<[1], [0], [0], [1], [0, 0, 1, 1], [], []>, transpose_lhs_hint = false} : vector<3200x140xf32>, vector<140x10xf32>, vector<3200x10xf32> -> vector<3200x10xf32>
    %exp3A = math.exp %dot_general3A_57 : vector<3200x10xf32>
    %get3A_58 = arith.constant 0 : index
    %get3A_59 = arith.constant 0 : index
    %get3A_60 = vector.load %arg16[%get3A_58, %get3A_59] : memref<10x3xf32, #tpu.memory_space<vmem>>, vector<10x3xf32>
    %dot_general3A_61 = arith.constant dense<0.000000e+00> : vector<3200x3xf32>
    %dot_general3A_62 = tpu.matmul %exp3A, %get3A_60, %dot_general3A_61 {dimension_numbers = #tpu.dot_dimension_numbers<[1], [0], [0], [1], [0, 0, 1, 1], [], []>, transpose_lhs_hint = false} : vector<3200x10xf32>, vector<10x3xf32>, vector<3200x3xf32> -> vector<3200x3xf32>
    %div3A = arith.constant 1.000000e+00 : f32
    %div3A_63 = vector.broadcast %div3A : f32 to vector<3200x3xf32>
    %div3A_64 = arith.divf %div3A_63, %dot_general3A_62 : vector<3200x3xf32>
    %get3A_65 = arith.constant 0 : index
    %get3A_66 = arith.constant 0 : index
    %get3A_67 = vector.load %arg17[%get3A_65, %get3A_66] : memref<3x10xf32, #tpu.memory_space<vmem>>, vector<3x10xf32>
    %dot_general3A_68 = arith.constant dense<0.000000e+00> : vector<3200x10xf32>
    %dot_general3A_69 = tpu.matmul %div3A_64, %get3A_67, %dot_general3A_68 {dimension_numbers = #tpu.dot_dimension_numbers<[1], [0], [0], [1], [0, 0, 1, 1], [], []>, transpose_lhs_hint = false} : vector<3200x3xf32>, vector<3x10xf32>, vector<3200x10xf32> -> vector<3200x10xf32>
    %mul3A = arith.mulf %exp3A, %dot_general3A_69 : vector<3200x10xf32>
    %mul3A_70 = vector.broadcast %reshape3A_30 : vector<3200x1xf32> to vector<3200x10xf32>
    %mul3A_71 = arith.mulf %mul3A, %mul3A_70 : vector<3200x10xf32>
    %get3A_72 = arith.constant 0 : index
    %get3A_73 = arith.constant 0 : index
    %get3A_74 = vector.load %arg15[%get3A_72, %get3A_73] : memref<10x140xf32, #tpu.memory_space<vmem>>, vector<10x140xf32>
    %dot_general3A_75 = arith.constant dense<0.000000e+00> : vector<3200x140xf32>
    %dot_general3A_76 = tpu.matmul %mul3A_71, %get3A_74, %dot_general3A_75 {dimension_numbers = #tpu.dot_dimension_numbers<[1], [0], [0], [1], [0, 0, 1, 1], [], []>, transpose_lhs_hint = false} : vector<3200x10xf32>, vector<10x140xf32>, vector<3200x140xf32> -> vector<3200x140xf32>
    %get3A_77 = arith.constant 0 : index
    %get3A_78 = arith.constant 0 : index
    %get3A_79 = vector.load %arg18[%get3A_77, %get3A_78] : memref<1x140xf32, #tpu.memory_space<vmem>>, vector<1x140xf32>
    %add3A_80 = vector.broadcast %get3A_79 : vector<1x140xf32> to vector<3200x140xf32>
    %add3A_81 = arith.addf %dot_general3A_76, %add3A_80 : vector<3200x140xf32>
    %mul3A_82 = arith.mulf %convert_element_type3A_52, %add3A_81 : vector<3200x140xf32>
    %get3A_83 = arith.constant 0 : index
    %get3A_84 = arith.constant 0 : index
    %get3A_85 = vector.load %arg19[%get3A_83, %get3A_84] : memref<140x64xf32, #tpu.memory_space<vmem>>, vector<140x64xf32>
    %dot_general3A_86 = arith.constant dense<0.000000e+00> : vector<3200x64xf32>
    %dot_general3A_87 = tpu.matmul %mul3A_82, %get3A_85, %dot_general3A_86 {dimension_numbers = #tpu.dot_dimension_numbers<[1], [0], [0], [1], [0, 0, 1, 1], [], []>, transpose_lhs_hint = false} : vector<3200x140xf32>, vector<140x64xf32>, vector<3200x64xf32> -> vector<3200x64xf32>
    %iota3A = tpu.iota {dimensions = array<i32: 0>} : vector<3200x1xi32>
    %jit3A = arith.constant 64 : i32
    %div3A_88 = vector.broadcast %jit3A : i32 to vector<3200x1xi32>
    %div3A_89 = arith.divsi %iota3A, %div3A_88 : vector<3200x1xi32>
    %sign3A = arith.constant 0 : i32
    %sign3A_90 = vector.broadcast %sign3A : i32 to vector<3200x1xi32>
    %sign3A_91 = arith.cmpi sgt, %iota3A, %sign3A_90 : vector<3200x1xi32>
    %sign3A_92 = arith.extui %sign3A_91 : vector<3200x1xi1> to vector<3200x1xi32>
    %sign3A_93 = arith.constant 0 : i32
    %sign3A_94 = vector.broadcast %sign3A_93 : i32 to vector<3200x1xi32>
    %sign3A_95 = arith.cmpi slt, %iota3A, %sign3A_94 : vector<3200x1xi32>
    %sign3A_96 = arith.extui %sign3A_95 : vector<3200x1xi1> to vector<3200x1xi32>
    %sign3A_97 = arith.subi %sign3A_92, %sign3A_96 : vector<3200x1xi32>
    %sign3A_98 = arith.constant 0 : i32
    %sign3A_99 = arith.cmpi sgt, %jit3A, %sign3A_98 : i32
    %sign3A_100 = arith.extui %sign3A_99 : i1 to i32
    %sign3A_101 = arith.constant 0 : i32
    %sign3A_102 = arith.cmpi slt, %jit3A, %sign3A_101 : i32
    %sign3A_103 = arith.extui %sign3A_102 : i1 to i32
    %sign3A_104 = arith.subi %sign3A_100, %sign3A_103 : i32
    %ne3A = vector.broadcast %sign3A_104 : i32 to vector<3200x1xi32>
    %ne3A_105 = arith.cmpi ne, %sign3A_97, %ne3A : vector<3200x1xi32>
    %rem3A = vector.broadcast %jit3A : i32 to vector<3200x1xi32>
    %rem3A_106 = arith.remsi %iota3A, %rem3A : vector<3200x1xi32>
    %ne3A_107 = arith.constant 0 : i32
    %ne3A_108 = vector.broadcast %ne3A_107 : i32 to vector<3200x1xi32>
    %ne3A_109 = arith.cmpi ne, %rem3A_106, %ne3A_108 : vector<3200x1xi32>
    %and3A = arith.andi %ne3A_105, %ne3A_109 : vector<3200x1xi1>
    %sub3A_110 = arith.constant 1 : i32
    %sub3A_111 = vector.broadcast %sub3A_110 : i32 to vector<3200x1xi32>
    %sub3A_112 = arith.subi %div3A_89, %sub3A_111 : vector<3200x1xi32>
    %select_n3A = arith.select %and3A, %sub3A_112, %div3A_89 : vector<3200x1xi1>, vector<3200x1xi32>
    %jit3A_113 = arith.constant 50 : i32
    %eq3A = arith.constant 0 : i32
    %eq3A_114 = arith.cmpi eq, %jit3A_113, %eq3A : i32
    %jit3A_115 = arith.constant 1 : i32
    %select_n3A_116 = arith.select %eq3A_114, %jit3A_115, %jit3A_113 : i32
    %rem3A_117 = vector.broadcast %select_n3A_116 : i32 to vector<3200x1xi32>
    %rem3A_118 = arith.remsi %select_n3A, %rem3A_117 : vector<3200x1xi32>
    %ne3A_119 = arith.constant 0 : i32
    %ne3A_120 = vector.broadcast %ne3A_119 : i32 to vector<3200x1xi32>
    %ne3A_121 = arith.cmpi ne, %rem3A_118, %ne3A_120 : vector<3200x1xi32>
    %lt3A_122 = arith.constant 0 : i32
    %lt3A_123 = vector.broadcast %lt3A_122 : i32 to vector<3200x1xi32>
    %lt3A_124 = arith.cmpi slt, %rem3A_118, %lt3A_123 : vector<3200x1xi32>
    %lt3A_125 = arith.constant 0 : i32
    %lt3A_126 = arith.cmpi slt, %select_n3A_116, %lt3A_125 : i32
    %ne3A_127 = vector.broadcast %lt3A_126 : i1 to vector<3200x1xi1>
    %ne3A_128 = vector.broadcast %ne3A_127 : vector<3200x1xi1> to vector<3200x1xi1>
    %ne3A_129 = arith.xori %lt3A_124, %ne3A_128 : vector<3200x1xi1>
    %and3A_130 = arith.andi %ne3A_129, %ne3A_121 : vector<3200x1xi1>
    %add3A_131 = vector.broadcast %select_n3A_116 : i32 to vector<3200x1xi32>
    %add3A_132 = arith.addi %rem3A_118, %add3A_131 : vector<3200x1xi32>
    %select_n3A_133 = arith.select %and3A_130, %add3A_132, %rem3A_118 : vector<3200x1xi1>, vector<3200x1xi32>
    %convert_element_type3A_134 = arith.sitofp %select_n3A_133 : vector<3200x1xi32> to vector<3200x1xf32>
    %mul3A_135 = arith.constant 2.000000e-02 : f32
    %mul3A_136 = vector.broadcast %mul3A_135 : f32 to vector<3200x1xf32>
    %mul3A_137 = arith.mulf %convert_element_type3A_134, %mul3A_136 : vector<3200x1xf32>
    %mul3A_138 = arith.constant 1 : i32
    %mul3A_139 = arith.muli %arg0, %mul3A_138 : i32
    %jit3A_140 = arith.constant 3200 : i32
    %div3A_141 = vector.broadcast %jit3A_140 : i32 to vector<3200x1xi32>
    %div3A_142 = arith.divsi %iota3A, %div3A_141 : vector<3200x1xi32>
    %sign3A_143 = arith.constant 0 : i32
    %sign3A_144 = vector.broadcast %sign3A_143 : i32 to vector<3200x1xi32>
    %sign3A_145 = arith.cmpi sgt, %iota3A, %sign3A_144 : vector<3200x1xi32>
    %sign3A_146 = arith.extui %sign3A_145 : vector<3200x1xi1> to vector<3200x1xi32>
    %sign3A_147 = arith.constant 0 : i32
    %sign3A_148 = vector.broadcast %sign3A_147 : i32 to vector<3200x1xi32>
    %sign3A_149 = arith.cmpi slt, %iota3A, %sign3A_148 : vector<3200x1xi32>
    %sign3A_150 = arith.extui %sign3A_149 : vector<3200x1xi1> to vector<3200x1xi32>
    %sign3A_151 = arith.subi %sign3A_146, %sign3A_150 : vector<3200x1xi32>
    %sign3A_152 = arith.constant 0 : i32
    %sign3A_153 = arith.cmpi sgt, %jit3A_140, %sign3A_152 : i32
    %sign3A_154 = arith.extui %sign3A_153 : i1 to i32
    %sign3A_155 = arith.constant 0 : i32
    %sign3A_156 = arith.cmpi slt, %jit3A_140, %sign3A_155 : i32
    %sign3A_157 = arith.extui %sign3A_156 : i1 to i32
    %sign3A_158 = arith.subi %sign3A_154, %sign3A_157 : i32
    %ne3A_159 = vector.broadcast %sign3A_158 : i32 to vector<3200x1xi32>
    %ne3A_160 = arith.cmpi ne, %sign3A_151, %ne3A_159 : vector<3200x1xi32>
    %rem3A_161 = vector.broadcast %jit3A_140 : i32 to vector<3200x1xi32>
    %rem3A_162 = arith.remsi %iota3A, %rem3A_161 : vector<3200x1xi32>
    %ne3A_163 = arith.constant 0 : i32
    %ne3A_164 = vector.broadcast %ne3A_163 : i32 to vector<3200x1xi32>
    %ne3A_165 = arith.cmpi ne, %rem3A_162, %ne3A_164 : vector<3200x1xi32>
    %and3A_166 = arith.andi %ne3A_160, %ne3A_165 : vector<3200x1xi1>
    %sub3A_167 = arith.constant 1 : i32
    %sub3A_168 = vector.broadcast %sub3A_167 : i32 to vector<3200x1xi32>
    %sub3A_169 = arith.subi %div3A_142, %sub3A_168 : vector<3200x1xi32>
    %select_n3A_170 = arith.select %and3A_166, %sub3A_169, %div3A_142 : vector<3200x1xi1>, vector<3200x1xi32>
    %add3A_171 = vector.broadcast %mul3A_139 : i32 to vector<3200x1xi32>
    %add3A_172 = arith.addi %add3A_171, %select_n3A_170 : vector<3200x1xi32>
    %convert_element_type3A_173 = arith.sitofp %add3A_172 : vector<3200x1xi32> to vector<3200x1xf32>
    %mul3A_174 = arith.constant 2.000000e-02 : f32
    %mul3A_175 = vector.broadcast %mul3A_174 : f32 to vector<3200x1xf32>
    %mul3A_176 = arith.mulf %convert_element_type3A_173, %mul3A_175 : vector<3200x1xf32>
    %slice3A_177 = vector.extract_strided_slice %dot_general3A_87 {offsets = [0, 0], sizes = [3200, 16], strides = [1, 1]} : vector<3200x64xf32> to vector<3200x16xf32>
    %get3A_178 = arith.constant 0 : index
    %get3A_179 = arith.constant 0 : index
    %get3A_180 = vector.load %arg11[%get3A_178, %get3A_179] : memref<3200x32xf32, #tpu.memory_space<vmem>>, vector<3200x32xf32>
    %mul3A_181 = vector.broadcast %reshape3A_30 : vector<3200x1xf32> to vector<3200x32xf32>
    %mul3A_182 = arith.mulf %get3A_180, %mul3A_181 : vector<3200x32xf32>
    %get3A_183 = arith.constant 0 : index
    %get3A_184 = arith.constant 0 : index
    %get3A_185 = arith.constant 0 : index
    %get3A_186 = arith.constant 0 : index
    %get3A_187 = vector.load %arg6[%get3A_183, %get3A_184, %get3A_185, %get3A_186] : memref<1x50x11x64xf32, #tpu.memory_space<vmem>>, vector<1x50x11x64xf32>
    %transpose3A_188 = tpu.transpose %get3A_187, [0, 1, 3, 2] : vector<1x50x11x64xf32> -> vector<1x50x64x11xf32>
    %reshape3A_189 = vector.shape_cast %transpose3A_188 : vector<1x50x64x11xf32> to vector<3200x11xf32>
    %mul3A_190 = vector.broadcast %reshape3A_30 : vector<3200x1xf32> to vector<3200x11xf32>
    %mul3A_191 = arith.mulf %reshape3A_189, %mul3A_190 : vector<3200x11xf32>
    %slice3A_192 = vector.extract_strided_slice %dot_general3A_87 {offsets = [0, 16], sizes = [3200, 48], strides = [1, 1]} : vector<3200x64xf32> to vector<3200x48xf32>
    %get3A_193 = arith.constant 0 : index
    %get3A_194 = arith.constant 0 : index
    %get3A_195 = arith.constant 0 : index
    %get3A_196 = arith.constant 0 : index
    %get3A_197 = vector.load %arg7[%get3A_193, %get3A_194, %get3A_195, %get3A_196] : memref<1x50x6x64xf32, #tpu.memory_space<vmem>>, vector<1x50x6x64xf32>
    %transpose3A_198 = tpu.transpose %get3A_197, [0, 1, 3, 2] : vector<1x50x6x64xf32> -> vector<1x50x64x6xf32>
    %reshape3A_199 = vector.shape_cast %transpose3A_198 : vector<1x50x64x6xf32> to vector<3200x6xf32>
    %mul3A_200 = vector.broadcast %reshape3A_30 : vector<3200x1xf32> to vector<3200x6xf32>
    %mul3A_201 = arith.mulf %reshape3A_199, %mul3A_200 : vector<3200x6xf32>
    %get3A_202 = arith.constant 0 : index
    %get3A_203 = arith.constant 0 : index
    %get3A_204 = arith.constant 0 : index
    %get3A_205 = arith.constant 0 : index
    %get3A_206 = vector.load %arg8[%get3A_202, %get3A_203, %get3A_204, %get3A_205] : memref<1x50x16x64xf32, #tpu.memory_space<vmem>>, vector<1x50x16x64xf32>
    %transpose3A_207 = tpu.transpose %get3A_206, [0, 1, 3, 2] : vector<1x50x16x64xf32> -> vector<1x50x64x16xf32>
    %reshape3A_208 = vector.shape_cast %transpose3A_207 : vector<1x50x64x16xf32> to vector<3200x16xf32>
    %mul3A_209 = vector.broadcast %reshape3A_30 : vector<3200x1xf32> to vector<3200x16xf32>
    %mul3A_210 = arith.mulf %reshape3A_208, %mul3A_209 : vector<3200x16xf32>
    %get3A_211 = arith.constant 0 : index
    %get3A_212 = arith.constant 0 : index
    %get3A_213 = arith.constant 0 : index
    %get3A_214 = arith.constant 0 : index
    %get3A_215 = vector.load %arg9[%get3A_211, %get3A_212, %get3A_213, %get3A_214] : memref<1x50x16x64xf32, #tpu.memory_space<vmem>>, vector<1x50x16x64xf32>
    %transpose3A_216 = tpu.transpose %get3A_215, [0, 1, 3, 2] : vector<1x50x16x64xf32> -> vector<1x50x64x16xf32>
    %reshape3A_217 = vector.shape_cast %transpose3A_216 : vector<1x50x64x16xf32> to vector<3200x16xf32>
    %mul3A_218 = arith.constant 1.000000e-01 : f32
    %mul3A_219 = vector.broadcast %mul3A_218 : f32 to vector<3200x1xf32>
    %mul3A_220 = arith.mulf %reshape3A_30, %mul3A_219 : vector<3200x1xf32>
    %mul3A_221 = vector.broadcast %mul3A_220 : vector<3200x1xf32> to vector<3200x16xf32>
    %mul3A_222 = arith.mulf %reshape3A_217, %mul3A_221 : vector<3200x16xf32>
    %get3A_223 = arith.constant 0 : index
    %get3A_224 = arith.constant 0 : index
    %get3A_225 = arith.constant 0 : index
    %get3A_226 = arith.constant 0 : index
    %get3A_227 = vector.load %arg10[%get3A_223, %get3A_224, %get3A_225, %get3A_226] : memref<1x50x3x64xf32, #tpu.memory_space<vmem>>, vector<1x50x3x64xf32>
    %transpose3A_228 = tpu.transpose %get3A_227, [0, 1, 3, 2] : vector<1x50x3x64xf32> -> vector<1x50x64x3xf32>
    %reshape3A_229 = vector.shape_cast %transpose3A_228 : vector<1x50x64x3xf32> to vector<3200x3xf32>
    %concatenate3A = tpu.concatenate %slice3A_177, %mul3A_137, %mul3A_176, %mul3A_182, %mul3A_191, %slice3A_192, %mul3A_201, %mul3A_210, %mul3A_222, %reshape3A_229 in 1 : vector<3200x16xf32>, vector<3200x1xf32>, vector<3200x1xf32>, vector<3200x32xf32>, vector<3200x11xf32>, vector<3200x48xf32>, vector<3200x6xf32>, vector<3200x16xf32>, vector<3200x16xf32>, vector<3200x3xf32> -> vector<3200x150xf32>
    %reshape3A_230 = vector.shape_cast %concatenate3A : vector<3200x150xf32> to vector<1x50x64x150xf32>
    %swap3A = arith.constant 0 : index
    %swap3A_231 = arith.constant 0 : index
    %swap3A_232 = arith.constant 0 : index
    %swap3A_233 = arith.constant 0 : index
    %swap3A_234 = vector.load %arg20[%swap3A, %swap3A_231, %swap3A_232, %swap3A_233] : memref<1x50x64x150xf32, #tpu.memory_space<vmem>>, vector<1x50x64x150xf32>
    tpu.vector_store %arg20[%swap3A, %swap3A_231, %swap3A_232, %swap3A_233], %reshape3A_230 {strides = array<i32>} : memref<1x50x64x150xf32, #tpu.memory_space<vmem>>, vector<1x50x64x150xf32>,
    return
  }
  func.func @transform_0(%arg0: i32) -> (i32, i32, i32, i32) {
    %c0_i32 = arith.constant 0 : i32
    %c0_i32_0 = arith.constant 0 : i32
    %c0_i32_1 = arith.constant 0 : i32
    %c0_i32_2 = arith.constant 0 : i32
    return %arg0, %c0_i32, %c0_i32_0, %c0_i32_1 : i32, i32, i32, i32
  }
  func.func @transform_1(%arg0: i32) -> (i32, i32, i32, i32) {
    %c0_i32 = arith.constant 0 : i32
    %c0_i32_0 = arith.constant 0 : i32
    %c0_i32_1 = arith.constant 0 : i32
    %c0_i32_2 = arith.constant 0 : i32
    return %arg0, %c0_i32, %c0_i32_0, %c0_i32_1 : i32, i32, i32, i32
  }
  func.func @transform_2(%arg0: i32) -> (i32, i32, i32, i32) {
    %c0_i32 = arith.constant 0 : i32
    %c0_i32_0 = arith.constant 0 : i32
    %c0_i32_1 = arith.constant 0 : i32
    %c0_i32_2 = arith.constant 0 : i32
    return %arg0, %c0_i32, %c0_i32_0, %c0_i32_1 : i32, i32, i32, i32
  }
  func.func @transform_3(%arg0: i32) -> (i32, i32, i32, i32) {
    %c0_i32 = arith.constant 0 : i32
    %c0_i32_0 = arith.constant 0 : i32
    %c0_i32_1 = arith.constant 0 : i32
    %c0_i32_2 = arith.constant 0 : i32
    return %arg0, %c0_i32, %c0_i32_0, %c0_i32_1 : i32, i32, i32, i32
  }
  func.func @transform_4(%arg0: i32) -> (i32, i32, i32) {
    %c0_i32 = arith.constant 0 : i32
    %c0_i32_0 = arith.constant 0 : i32
    %c0_i32_1 = arith.constant 0 : i32
    return %arg0, %c0_i32, %c0_i32_0 : i32, i32, i32
  }
  func.func @transform_5(%arg0: i32) -> (i32, i32, i32, i32) {
    %c0_i32 = arith.constant 0 : i32
    %c0_i32_0 = arith.constant 0 : i32
    %c0_i32_1 = arith.constant 0 : i32
    %c0_i32_2 = arith.constant 0 : i32
    return %arg0, %c0_i32, %c0_i32_0, %c0_i32_1 : i32, i32, i32, i32
  }
  func.func @transform_6(%arg0: i32) -> (i32, i32, i32, i32) {
    %c0_i32 = arith.constant 0 : i32
    %c0_i32_0 = arith.constant 0 : i32
    %c0_i32_1 = arith.constant 0 : i32
    %c0_i32_2 = arith.constant 0 : i32
    return %arg0, %c0_i32, %c0_i32_0, %c0_i32_1 : i32, i32, i32, i32
  }
  func.func @transform_7(%arg0: i32) -> (i32, i32, i32, i32) {
    %c0_i32 = arith.constant 0 : i32
    %c0_i32_0 = arith.constant 0 : i32
    %c0_i32_1 = arith.constant 0 : i32
    %c0_i32_2 = arith.constant 0 : i32
    return %arg0, %c0_i32, %c0_i32_0, %c0_i32_1 : i32, i32, i32, i32
  }
  func.func @transform_8(%arg0: i32) -> (i32, i32, i32, i32) {
    %c0_i32 = arith.constant 0 : i32
    %c0_i32_0 = arith.constant 0 : i32
    %c0_i32_1 = arith.constant 0 : i32
    %c0_i32_2 = arith.constant 0 : i32
    return %arg0, %c0_i32, %c0_i32_0, %c0_i32_1 : i32, i32, i32, i32
  }
  func.func @transform_9(%arg0: i32) -> (i32, i32, i32, i32) {
    %c0_i32 = arith.constant 0 : i32
    %c0_i32_0 = arith.constant 0 : i32
    %c0_i32_1 = arith.constant 0 : i32
    %c0_i32_2 = arith.constant 0 : i32
    return %arg0, %c0_i32, %c0_i32_0, %c0_i32_1 : i32, i32, i32, i32
  }
  func.func @transform_10(%arg0: i32) -> (i32, i32) {
    %c0_i32 = arith.constant 0 : i32
    %c0_i32_0 = arith.constant 0 : i32
    return %arg0, %c0_i32 : i32, i32
  }
  func.func @transform_11(%arg0: i32) -> (i32, i32) {
    %c0_i32 = arith.constant 0 : i32
    %c0_i32_0 = arith.constant 0 : i32
    %c0_i32_1 = arith.constant 0 : i32
    return %c0_i32, %c0_i32_0 : i32, i32
  }
  func.func @transform_12(%arg0: i32) -> (i32, i32) {
    %c0_i32 = arith.constant 0 : i32
    %c0_i32_0 = arith.constant 0 : i32
    %c0_i32_1 = arith.constant 0 : i32
    return %c0_i32, %c0_i32_0 : i32, i32
  }
  func.func @transform_13(%arg0: i32) -> (i32, i32) {
    %c0_i32 = arith.constant 0 : i32
    %c0_i32_0 = arith.constant 0 : i32
    %c0_i32_1 = arith.constant 0 : i32
    return %c0_i32, %c0_i32_0 : i32, i32
  }
  func.func @transform_14(%arg0: i32) -> (i32, i32) {
    %c0_i32 = arith.constant 0 : i32
    %c0_i32_0 = arith.constant 0 : i32
    %c0_i32_1 = arith.constant 0 : i32
    return %c0_i32, %c0_i32_0 : i32, i32
  }
  func.func @transform_15(%arg0: i32) -> (i32, i32) {
    %c0_i32 = arith.constant 0 : i32
    %c0_i32_0 = arith.constant 0 : i32
    %c0_i32_1 = arith.constant 0 : i32
    return %c0_i32, %c0_i32_0 : i32, i32
  }
  func.func @transform_16(%arg0: i32) -> (i32, i32) {
    %c0_i32 = arith.constant 0 : i32
    %c0_i32_0 = arith.constant 0 : i32
    %c0_i32_1 = arith.constant 0 : i32
    return %c0_i32, %c0_i32_0 : i32, i32
  }
  func.func @transform_17(%arg0: i32) -> (i32, i32) {
    %c0_i32 = arith.constant 0 : i32
    %c0_i32_0 = arith.constant 0 : i32
    %c0_i32_1 = arith.constant 0 : i32
    return %c0_i32, %c0_i32_0 : i32, i32
  }
  func.func @transform_18(%arg0: i32) -> (i32, i32) {
    %c0_i32 = arith.constant 0 : i32
    %c0_i32_0 = arith.constant 0 : i32
    %c0_i32_1 = arith.constant 0 : i32
    return %c0_i32, %c0_i32_0 : i32, i32
  }
  func.func @transform_19(%arg0: i32) -> (i32, i32, i32, i32) {
    %c0_i32 = arith.constant 0 : i32
    %c0_i32_0 = arith.constant 0 : i32
    %c0_i32_1 = arith.constant 0 : i32
    %c0_i32_2 = arith.constant 0 : i32
    return %arg0, %c0_i32, %c0_i32_0, %c0_i32_1 : i32, i32, i32, i32
  }
}

</mosaic_0001>

<sc_bundles>
// kernel: kernel.4.cloned.1.call-start
scs
__scs_entry_jumppad:
0x0: {  	(pc) =	sbr.rel $0x88, $3  }
0x1: {  	(tag) =	ssettag $0x0;
	lr =	simm.s32 $0x1  }
0x2: {  	[smem:$0x3F8E] =	sst lr;
	_ =	strace $0xD0000000  }
0x3: {  	_ = 	snop  }
0x4: {  	_ = 	snop  }
0x5: {  	_ = 	snop  }
0x6: {  	_ = 	snop  }
0x7: {  	_ = 	snop  }
__scs_overlays_trampoline_lowered:
0x8: {  	[smem:$0x3F9D] =	sst s0  }
0x9: {  	[smem:$0x3F9E] =	sst s1  }
0xa: {  	[smem:$0x3F9F] =	sst s2  }
0xb: {  	[smem:$0x3FA0] =	sst s3  }
0xc: {  	[smem:$0x3FA1] =	sst s4  }
0xd: {  	[smem:$0x3FA2] =	sst s5  }
0xe: {  	[smem:$0x3FA3] =	sst s6  }
0xf: {  	[smem:$0x3FA4] =	sst s7  }
0x10: {  	[smem:$0x3FA5] =	sst s8  }
0x11: {  	[smem:$0x3FA6] =	sst s9;
	s0 =	simm.s32 @!p0 $0x0  }
0x12: {  	s1 =	sld [smem:$0x3F8C];
	s0 =	simm.s32 @p0 $0x1  }
0x13: {  	[smem:$0x3FA7] =	sst s0;
	s0 =	simm.s32 @!p1 $0x0  }
0x14: {  	s2 =	sld [smem:$0x3F8B];
	s0 =	simm.s32 @p1 $0x1  }
0x15: {  	[smem:$0x3FA8] =	sst s0;
	s0 =	simm.s32 @!p2 $0x0  }
0x16: {  	s3 =	sld [smem:$0x3FDB];
	s0 =	simm.s32 @p2 $0x1  }
0x17: {  	s4 =	simm.s32 $0x1BF5;
	[smem:$0x3FAA] =	sst s0  }
0x18: {  	s0 =	sld [smem:$0x3F8D];
	_ =	swait.ge [sflag:s4], $0x0  }
0x19: {  	s7 =	sld [smem:$0x3F8E]  }
0x1a: {  	s8 =	sadd.s32 $0xFFFFE003, lr  }
0x1b: {  	s9 =	sadd.s32 $0xFFFFFEF7, lr;
	s5 =	simm.s32 $0xFFFFFFFF;
	p2 =	slt.u32 s8, $0xFFFFF086  }
0x1c: {  	p1 =	slt.u32 s9, $0xF7A;
	s5 =	simm.s32 @!p2 $0x0  }
0x1d: {  	s5 =	simm.s32 @p1 $0x1;
	p0 =	seq.s32 s7, s2  }
0x1e: {  	s7 =	smul.u32 @!p0 $0xF7A, s2;
	p2 =	seq.s32 @!p0 s5, $0x0  }
0x1f: {  	s9 =	smul.u32 $0xF7A, s1;
	s8 =	simm.s32 @!p0 $0x1BF5;
	p2 =	por !p2, p0  }
0x20: {  	[sflag:s8] =	ssyncset.s32 @!p0 $0xFFFFF086;
	s6 =	sadd.s32 @!p0 s3, s7;
	s7 =	simm.s32 @!p0 $0x108  }
0x21: {  	s3 =	sadd.s32 s3, s9;
	s6 =	sadd.s32 @!p0 $0x88, s6;
	s7 =	simm.s32 @p2 $0x1082  }
0x22: {  	[simem:s7], [sflag:s8] =	dma.local @!p0 [hbm:s6], $0xF7A  }
0x23: {  	s9 =	sor.u32 $0xD0000000, s2;
	s6 =	simm.s32 $0x108;
	_ =	swait.ge @!p0 [sflag:s8], $0x0  }
0x24: {  	s3 =	sadd.s32 $0x88, s3;
	s6 =	simm.s32 @!p1 $0x1082;
	[sflag:s4] =	ssyncset.s32 $0xFFFFF086  }
0x25: {  	[simem:s6], [sflag:s4] =	dma.local [hbm:s3], $0xF7A  }
0x26: {  	[smem:$0x3F8E] =	sst s1;
	(tag) =	ssettag s2;
	_ =	strace s9  }
0x27: {  	s1 =	sld [smem:$0x3F9E]  }
0x28: {  	s2 =	sld [smem:$0x3F9F]  }
0x29: {  	s4 =	sld [smem:$0x3FA1]  }
0x2a: {  	p0 =	seq.s32 s5, $0x0;
	s5 =	sld [smem:$0x3FA2]  }
0x2b: {  	s6 =	sld [smem:$0x3FA3]  }
0x2c: {  	s7 =	sld [smem:$0x3FA4]  }
0x2d: {  	s3 =	simm.s32 $0x108;
	s8 =	sld [smem:$0x3FA5]  }
0x2e: {  	s3 =	simm.s32 @!p0 $0x1082;
	s9 =	sld [smem:$0x3FA6]  }
0x2f: {  	lr =	sadd.s32 s0, s3;
	s0 =	sld [smem:$0x3F9D]  }
0x30: {  	s3 =	sld [smem:$0x3FA0]  }
0x31: {  	[smem:$0x3FA9] =	sst s10  }
0x32: {  	s10 =	sld [smem:$0x3FA7];
	_ =	sdelay $0x3  }
0x33: {  	p0 =	seq.s32 s10, $0x1;
	s10 =	sld [smem:$0x3FA9];
	_ =	sdelay $0x3  }
0x34: {  	[smem:$0x3FA9] =	sst s10  }
0x35: {  	s10 =	sld [smem:$0x3FA8];
	_ =	sdelay $0x3  }
0x36: {  	p1 =	seq.s32 s10, $0x1;
	s10 =	sld [smem:$0x3FA9];
	_ =	sdelay $0x3  }
0x37: {  	[smem:$0x3FA9] =	sst s10  }
0x38: {  	s10 =	sld [smem:$0x3FAA]  }
0x39: {  	_ = 	snop;
	(pc) =	sbr.ind lr, $3  }
0x3a: {  	_ = 	snop  }
0x3b: {  	_ = 	snop  }
0x3c: {  	p2 =	seq.s32 s10, $0x1;
	s10 =	sld [smem:$0x3FA9]  }
0x3d: {  	_ =	shalt  }
0x3e: {  	_ =	shalt  }
0x3f: {  	_ =	shalt  }
0x40: {  	_ =	shalt  }
0x41: {  	_ =	shalt  }
0x42: {  	_ =	shalt  }
0x43: {  	_ =	shalt  }
0x44: {  	_ =	shalt  }
0x45: {  	_ =	shalt  }
0x46: {  	_ =	shalt  }
0x47: {  	_ =	shalt  }
0x48: {  	_ =	shalt  }
0x49: {  	_ =	shalt  }
0x4a: {  	_ =	shalt  }
0x4b: {  	_ =	shalt  }
0x4c: {  	_ =	shalt  }
0x4d: {  	_ =	shalt  }
0x4e: {  	_ =	shalt  }
0x4f: {  	_ =	shalt  }
0x50: {  	_ =	shalt  }
0x51: {  	_ =	shalt  }
0x52: {  	_ =	shalt  }
0x53: {  	_ =	shalt  }
0x54: {  	_ =	shalt  }
0x55: {  	_ =	shalt  }
0x56: {  	_ =	shalt  }
0x57: {  	_ =	shalt  }
0x58: {  	_ =	shalt  }
0x59: {  	_ =	shalt  }
0x5a: {  	_ =	shalt  }
0x5b: {  	_ =	shalt  }
0x5c: {  	_ =	shalt  }
0x5d: {  	_ =	shalt  }
0x5e: {  	_ =	shalt  }
0x5f: {  	_ =	shalt  }
0x60: {  	_ =	shalt  }
0x61: {  	_ =	shalt  }
0x62: {  	_ =	shalt  }
0x63: {  	_ =	shalt  }
0x64: {  	_ =	shalt  }
0x65: {  	_ =	shalt  }
0x66: {  	_ =	shalt  }
0x67: {  	_ =	shalt  }
0x68: {  	_ =	shalt  }
0x69: {  	_ =	shalt  }
0x6a: {  	_ =	shalt  }
0x6b: {  	_ =	shalt  }
0x6c: {  	_ =	shalt  }
0x6d: {  	_ =	shalt  }
0x6e: {  	_ =	shalt  }
0x6f: {  	_ =	shalt  }
0x70: {  	_ =	shalt  }
0x71: {  	_ =	shalt  }
0x72: {  	_ =	shalt  }
0x73: {  	_ =	shalt  }
0x74: {  	_ =	shalt  }
0x75: {  	_ =	shalt  }
0x76: {  	_ =	shalt  }
0x77: {  	_ =	shalt  }
0x78: {  	_ =	shalt  }
0x79: {  	_ =	shalt  }
0x7a: {  	_ =	shalt  }
0x7b: {  	_ =	shalt  }
0x7c: {  	_ =	shalt  }
0x7d: {  	_ =	shalt  }
0x7e: {  	_ =	shalt  }
0x7f: {  	_ =	shalt  }
0x80: {  	_ =	shalt  }
0x81: {  	_ =	shalt  }
0x82: {  	_ =	shalt  }
0x83: {  	_ =	shalt  }
0x84: {  	_ =	shalt  }
0x85: {  	_ =	shalt  }
0x86: {  	_ =	shalt  }
0x87: {  	_ =	shalt  }
.Lfunc_end0:
.L_simem_size_0:
called_computation_lowered:
.L_overlay_start_0:
0x88: {  	s2 =	sld [smem:$0x3FD9]  }
0x89: {  	s3 =	sld [smem:$0x3FFE];
	_ =	sdelay $0x1  }
0x8a: {  	s1 =	srdreg.scid  }
0x8b: {  	s0 =	sand.u32 $0x1, s1  }
0x8c: {  	s17 =	sshll.u32 s0, $0xA;
	s2 =	sadd.s32 s3, s2  }
0x8d: {  	s2 =	sadd.s32 s2, s17  }
0x8e: {  	[smem:$0x3FB5] =	sst s2  }
0x8f: {  	_ = 	snop  }
0x90: {  	s2 =	sld [smem:$0x3FD0];
	(tm) =	ssettm $0x1  }
0x91: {  	s18 =	sld [smem:$0x3FFB];
	_ =	sdelay $0x3  }
0x92: {  	_ =	strace s18  }
0x93: {  	s3 =	sld [smem:$0x3FFC];
	_ =	sdelay $0x3  }
0x94: {  	_ =	strace s3  }
0x95: {  	s3 =	sld [smem:$0x3FFD];
	_ =	sdelay $0x3  }
0x96: {  	_ =	strace s3  }
0x97: {  	_ =	strace $0x8FFFFFFF  }
0x98: {  	s19 =	sld [smem:$0x3FDB];
	_ =	sdelay $0x1  }
0x99: {  	s4 =	simm.s32 $_scs_section_size  }
0x9a: {  	s5 =	simm.s32 $_size__tile_overlayer_lowered;
	s6 =	simm.s32 $_tile_overlayer_lowered  }
0x9b: {  	s22 =	simm.s32 $0x1BFF;
	s21 =	sshll.u32 s6, $0x1;
	s3 =	sadd.s32 s4, s19  }
0x9c: {  	s7 =	simm.s32 $0x0;
	s20 =	sshll.u32 s5, $0x1;
	s5 =	sadd.s32 s21, s3  }
0x9d: {  	[timem:s7], [sflag:s22] =	dma.local [hbm:s5], s20  }
0x9e: {  	_ =	swait.ge [sflag:s22], s20  }
0x9f: {  	s4 =	ssub.s32 $0x0, s20;
	[sflag:s22] =	ssyncset.done $0x0  }
0xa0: {  	[sflag:s22] =	ssyncadd.s32 s4;
	_ =	sdelay $0x1  }
0xa1: {  	s23 =	simm.s32 $0x1B8B  }
0xa2: {  	_ =	swait.ge [sflag:s23], $0x1  }
0xa3: {  	[sflag:s23] =	ssyncset.done $0x0  }
0xa4: {  	s25 =	simm.s32 $0x1B8E;
	s24 =	sld [smem:$0x3FFE];
	[sflag:s23] =	ssyncadd.s32 $0xFFFFFFFF  }
0xa5: {  	s26 =	simm.s32 $execute0_lowered;
	[smem:$0x3FD2] =	sst s25  }
0xa6: {  	s5 =	sshll.u32 s26, $0x1;
	_ =	strace $0x80000046;
	[dreg:$0x1] =	wrdreg $0xFFFFFFFF  }
0xa7: {  	s28 =	simm.s32 $_size_execute0_lowered;
	s3 =	sadd.s32 s3, s5;
	[dreg:$0x0] =	wrdreg $0x0  }
0xa8: {  	s5 =	sshll.u32 s28, $0x1;
	[dreg:$0x2] =	wrdreg s3  }
0xa9: {  	[dreg:$0x3] =	wrdreg s5  }
0xaa: {  	[dreg:$0x4] =	wrdreg $0xC0  }
0xab: {  	_ =	task [dreg:s7], $0x5FFFF  }
0xac: {  	[dreg:$0x1] =	wrdreg $0xFFFFFFFF  }
0xad: {  	[dreg:$0x0] =	wrdreg $0x60  }
0xae: {  	[dreg:$0x2] =	wrdreg s24  }
0xaf: {  	[dreg:$0x3] =	wrdreg s2  }
0xb0: {  	[dreg:$0x4] =	wrdreg $0x9  }
0xb1: {  	_ =	task.clear_ibuf [dreg:s7], $0x5FFFF;
	_ =	strace $0x90000046  }
0xb2: {  	s29 =	simm.s32 $0x9;
	_ =	strace $0x80000048  }
0xb3: {  	_ =	swait.ge [sflag:s29], $0x1  }
0xb4: {  	[sflag:s29] =	ssyncadd.s32 $0xFFFFFFFF  }
0xb5: {  	_ =	strace $0x90000048  }
0xb6: {  	_ =	sfence  }
0xb7: {  	s30 =	sld [smem:$0x0];
	_ =	sdelay $0x2  }
0xb8: {  	s31 =	sshll.u32 s1, $0xD;
	s1 =	sshrl.u32 s1, $0x2  }
0xb9: {  	s3 =	sand.u32 $0x4000, s31;
	s1 =	sadd.s32 s1, s30  }
0xba: {  	s0 =	sor.u32 s3, s0;
	s1 =	sshll.u32 s1, $0x11  }
0xbb: {  	s0 =	sor.u32 s1, s0  }
0xbc: {  	s0 =	sadd.s32 $0x8F2B, s0  }
0xbd: {  	[sflag:s0] =	ssyncadd.remote.s32 $0x1  }
0xbe: {  	_ =	sfence.sel $0xFFFF  }
0xbf: {  	[dreg:$0x0] =	wrdreg $0xFFFFFFFF;
	(pc) =	sbr.abs _section_cstart, $3  }
0xc0: {  	[dreg:$0x1] =	wrdreg $0xFFFFFFFF  }
0xc1: {  	_ =	task.clear_ibuf [dreg:s7], $0x2FFFF;
	_ =	strace $0x9FFFFFFF  }
0xc2: {  	(tm) =	ssettm $0x7FFFFFFF  }
0xc3: {  	_ =	shalt  }
tec
execute0_lowered:
.L_overlay_start_1:
0x0: {  	(tag) =	ssettag $0x1  }
0x1: {  	s1 =	srdreg.scid;
	s0 =	stileid.u32  }
0x2: {  	s17 =	sand.u32 $0x1, s1;
	s30 =	sshll.u32 s0, $0x1  }
0x3: {  	s5 =	rddreg [dreg:$0x0];
	s8 =	sor.u32 s17, s30  }
0x4: {  	s16 =	rddreg [dreg:$0x1];
	s18 =	smul.u32 $0x1388, s8  }
0x5: {  	s2 =	simm.s32 $0x0;
	s1 =	rddreg [dreg:$0x2]  }
0x6: {  	[smem:$0x7FF] =	sst s2;
	s15 =	sadd.s32 $0x5A00, s5;
	s3 =	sshrl.u32 s18, $0x3  }
0x7: {  	_ =	strace $0x80000047;
	s4 =	sadd.s32 s15, s3;
	s3 =	simm.s32 $0x2  }
0x8: {  	[tilespmem:s2], [sflag:$0x2] =	stream.linear.gather [hbm4b:s4+s2], $0x3E8, $0x38;
	[tilespmem:$0x80E8] =	vst v63  }
0x9: {  	_ =	swait.ge [sflag:s3], $0x3E8  }
0xa: {  	s6 =	simm.s32 $0x3E8;
	[sflag:s3] =	ssyncset.done $0x0  }
0xb: {  	s7 =	simm.s32 $0x1;
	s5 =	sadd.s32 $0x5200, s5;
	[sflag:s3] =	ssyncadd.s32 $0xFFFFFC18  }
0xc: {  	[tilespmem:s6], [sflag:$0x1] =	stream.indirect.gather [hbm4b:s5+s6], $0x20, s2, s6, $0xb8;
	[tilespmem:$0x80E8] =	vst v63  }
0xd: {  	s8 =	smul.u32 $0x4E20, s8;
	_ =	swait.ge [sflag:s7], $0x7D00  }
0xe: {  	[sflag:s7] =	ssyncset.done $0x0  }
0xf: {  	s8 =	sadd.s32 s16, s8;
	[sflag:s7] =	ssyncadd.s32 $0xFFFF8300  }
0x10: {  	[hbm4b:s8+s2] =	stream.linear.scatter [tilespmem:s6], [sflag:$0x2], $0x7D00, $0x38;
	[tilespmem:$0x80E8] =	vst v63  }
0x11: {  	s10 =	sadd.s32 $0x3E8, s18;
	_ =	swait.ge [sflag:s3], $0x7D00  }
0x12: {  	s9 =	sshrl.u32 s10, $0x3;
	[sflag:s3] =	ssyncset.done $0x0  }
0x13: {  	s9 =	sadd.s32 s15, s9;
	[sflag:s3] =	ssyncadd.s32 $0xFFFF8300  }
0x14: {  	[tilespmem:s2], [sflag:$0x2] =	stream.linear.gather [hbm4b:s9+s2], $0x3E8, $0x38;
	[tilespmem:$0x80E8] =	vst v63  }
0x15: {  	_ =	swait.ge [sflag:s3], $0x3E8  }
0x16: {  	[sflag:s3] =	ssyncset.done $0x0  }
0x17: {  	[sflag:s3] =	ssyncadd.s32 $0xFFFFFC18  }
0x18: {  	[tilespmem:s6], [sflag:$0x1] =	stream.indirect.gather [hbm4b:s5+s6], $0x20, s2, s6, $0xb8;
	[tilespmem:$0x80E8] =	vst v63  }
0x19: {  	_ =	swait.ge [sflag:s7], $0x7D00  }
0x1a: {  	s10 =	sshll.u32 s10, $0x2;
	[sflag:s7] =	ssyncset.done $0x0  }
0x1b: {  	s10 =	sadd.s32 s16, s10;
	[sflag:s7] =	ssyncadd.s32 $0xFFFF8300  }
0x1c: {  	[hbm4b:s10+s2] =	stream.linear.scatter [tilespmem:s6], [sflag:$0x2], $0x7D00, $0x38;
	[tilespmem:$0x80E8] =	vst v63  }
0x1d: {  	s12 =	sadd.s32 $0x7D0, s18;
	_ =	swait.ge [sflag:s3], $0x7D00  }
0x1e: {  	s11 =	sshrl.u32 s12, $0x3;
	[sflag:s3] =	ssyncset.done $0x0  }
0x1f: {  	s11 =	sadd.s32 s15, s11;
	[sflag:s3] =	ssyncadd.s32 $0xFFFF8300  }
0x20: {  	[tilespmem:s2], [sflag:$0x2] =	stream.linear.gather [hbm4b:s11+s2], $0x3E8, $0x38;
	[tilespmem:$0x80E8] =	vst v63  }
0x21: {  	_ =	swait.ge [sflag:s3], $0x3E8  }
0x22: {  	[sflag:s3] =	ssyncset.done $0x0  }
0x23: {  	[sflag:s3] =	ssyncadd.s32 $0xFFFFFC18  }
0x24: {  	[tilespmem:s6], [sflag:$0x1] =	stream.indirect.gather [hbm4b:s5+s6], $0x20, s2, s6, $0xb8;
	[tilespmem:$0x80E8] =	vst v63  }
0x25: {  	_ =	swait.ge [sflag:s7], $0x7D00  }
0x26: {  	s12 =	sshll.u32 s12, $0x2;
	[sflag:s7] =	ssyncset.done $0x0  }
0x27: {  	s12 =	sadd.s32 s16, s12;
	[sflag:s7] =	ssyncadd.s32 $0xFFFF8300  }
0x28: {  	[hbm4b:s12+s2] =	stream.linear.scatter [tilespmem:s6], [sflag:$0x2], $0x7D00, $0x38;
	[tilespmem:$0x80E8] =	vst v63  }
0x29: {  	s14 =	sadd.s32 $0xBB8, s18;
	_ =	swait.ge [sflag:s3], $0x7D00  }
0x2a: {  	s13 =	sshrl.u32 s14, $0x3;
	[sflag:s3] =	ssyncset.done $0x0  }
0x2b: {  	s13 =	sadd.s32 s15, s13;
	[sflag:s3] =	ssyncadd.s32 $0xFFFF8300  }
0x2c: {  	[tilespmem:s2], [sflag:$0x2] =	stream.linear.gather [hbm4b:s13+s2], $0x3E8, $0x38;
	[tilespmem:$0x80E8] =	vst v63  }
0x2d: {  	_ =	swait.ge [sflag:s3], $0x3E8  }
0x2e: {  	[sflag:s3] =	ssyncset.done $0x0  }
0x2f: {  	[sflag:s3] =	ssyncadd.s32 $0xFFFFFC18  }
0x30: {  	[tilespmem:s6], [sflag:$0x1] =	stream.indirect.gather [hbm4b:s5+s6], $0x20, s2, s6, $0xb8;
	[tilespmem:$0x80E8] =	vst v63  }
0x31: {  	_ =	swait.ge [sflag:s7], $0x7D00  }
0x32: {  	s14 =	sshll.u32 s14, $0x2;
	[sflag:s7] =	ssyncset.done $0x0  }
0x33: {  	s14 =	sadd.s32 s16, s14;
	[sflag:s7] =	ssyncadd.s32 $0xFFFF8300  }
0x34: {  	[hbm4b:s14+s2] =	stream.linear.scatter [tilespmem:s6], [sflag:$0x2], $0x7D00, $0x38;
	[tilespmem:$0x80E8] =	vst v63  }
0x35: {  	s18 =	sadd.s32 $0xFA0, s18;
	_ =	swait.ge [sflag:s3], $0x7D00  }
0x36: {  	s19 =	sshrl.u32 s18, $0x3;
	[sflag:s3] =	ssyncset.done $0x0  }
0x37: {  	s17 =	ssub.s32 $0x2, s17;
	s15 =	sadd.s32 s15, s19;
	[sflag:s3] =	ssyncadd.s32 $0xFFFF8300  }
0x38: {  	[tilespmem:s2], [sflag:$0x2] =	stream.linear.gather [hbm4b:s15+s2], $0x3E8, $0x38;
	[tilespmem:$0x80E8] =	vst v63  }
0x39: {  	s31 =	sshrl.u32 s17, $0x1;
	_ =	swait.ge [sflag:s3], $0x3E8  }
0x3a: {  	s17 =	ssub.s32 s17, s31;
	[sflag:s3] =	ssyncset.done $0x0  }
0x3b: {  	s17 =	smax.u32 s17, $0x1;
	[sflag:s3] =	ssyncadd.s32 $0xFFFFFC18  }
0x3c: {  	[tilespmem:s6], [sflag:$0x1] =	stream.indirect.gather [hbm4b:s5+s6], $0x20, s2, s6, $0xb8;
	[tilespmem:$0x80E8] =	vst v63  }
0x3d: {  	p0 =	sne.s32 s17, $0x1;
	_ =	swait.ge [sflag:s7], $0x7D00  }
.Ltmp0:
0x3e: {  	s18 =	sshll.u32 s18, $0x2;
	[sflag:s7] =	ssyncset.done $0x0;
	(pc) =	sbr.rel @!p0 .LBB2_2-.Ltmp0, $4  }
0x3f: {  	s16 =	sadd.s32 s16, s18;
	[sflag:s7] =	ssyncadd.s32 $0xFFFF8300  }
0x40: {  	[hbm4b:s16+s2] =	stream.linear.scatter [tilespmem:s6], [sflag:$0x2], $0x7D00, $0x38;
	[tilespmem:$0x80E8] =	vst v63  }
0x41: {  	_ =	swait.ge [sflag:s3], $0x7D00  }
0x42: {  	s17 =	sadd.s32 $0xFFFFFFFF, s17;
	[sflag:s3] =	ssyncset.done $0x0  }
.LBB2_1:
0x43: {  	p0 =	sne.s32 s17, $0x1;
	s17 =	sadd.s32 $0xFFFFFFFF, s17;
	[sflag:s3] =	ssyncadd.s32 $0xFFFF8300  }
0x44: {  	[tilespmem:s2], [sflag:$0x2] =	stream.linear.gather [hbm4b:s4+s2], $0x3E8, $0x38;
	[tilespmem:$0x80E8] =	vst v63  }
0x45: {  	_ =	swait.ge [sflag:s3], $0x3E8  }
0x46: {  	[sflag:s3] =	ssyncset.done $0x0  }
0x47: {  	[sflag:s3] =	ssyncadd.s32 $0xFFFFFC18  }
0x48: {  	[tilespmem:s6], [sflag:$0x1] =	stream.indirect.gather [hbm4b:s5+s6], $0x20, s2, s6, $0xb8;
	[tilespmem:$0x80E8] =	vst v63  }
0x49: {  	_ =	swait.ge [sflag:s7], $0x7D00  }
0x4a: {  	[sflag:s7] =	ssyncset.done $0x0  }
0x4b: {  	[sflag:s7] =	ssyncadd.s32 $0xFFFF8300  }
0x4c: {  	[hbm4b:s8+s2] =	stream.linear.scatter [tilespmem:s6], [sflag:$0x2], $0x7D00, $0x38;
	[tilespmem:$0x80E8] =	vst v63  }
0x4d: {  	_ =	swait.ge [sflag:s3], $0x7D00  }
0x4e: {  	[sflag:s3] =	ssyncset.done $0x0  }
0x4f: {  	[sflag:s3] =	ssyncadd.s32 $0xFFFF8300  }
0x50: {  	[tilespmem:s2], [sflag:$0x2] =	stream.linear.gather [hbm4b:s9+s2], $0x3E8, $0x38;
	[tilespmem:$0x80E8] =	vst v63  }
0x51: {  	_ =	swait.ge [sflag:s3], $0x3E8  }
0x52: {  	[sflag:s3] =	ssyncset.done $0x0  }
0x53: {  	[sflag:s3] =	ssyncadd.s32 $0xFFFFFC18  }
0x54: {  	[tilespmem:s6], [sflag:$0x1] =	stream.indirect.gather [hbm4b:s5+s6], $0x20, s2, s6, $0xb8;
	[tilespmem:$0x80E8] =	vst v63  }
0x55: {  	_ =	swait.ge [sflag:s7], $0x7D00  }
0x56: {  	[sflag:s7] =	ssyncset.done $0x0  }
0x57: {  	[sflag:s7] =	ssyncadd.s32 $0xFFFF8300  }
0x58: {  	[hbm4b:s10+s2] =	stream.linear.scatter [tilespmem:s6], [sflag:$0x2], $0x7D00, $0x38;
	[tilespmem:$0x80E8] =	vst v63  }
0x59: {  	_ =	swait.ge [sflag:s3], $0x7D00  }
0x5a: {  	[sflag:s3] =	ssyncset.done $0x0  }
0x5b: {  	[sflag:s3] =	ssyncadd.s32 $0xFFFF8300  }
0x5c: {  	[tilespmem:s2], [sflag:$0x2] =	stream.linear.gather [hbm4b:s11+s2], $0x3E8, $0x38;
	[tilespmem:$0x80E8] =	vst v63  }
0x5d: {  	_ =	swait.ge [sflag:s3], $0x3E8  }
0x5e: {  	[sflag:s3] =	ssyncset.done $0x0  }
0x5f: {  	[sflag:s3] =	ssyncadd.s32 $0xFFFFFC18  }
0x60: {  	[tilespmem:s6], [sflag:$0x1] =	stream.indirect.gather [hbm4b:s5+s6], $0x20, s2, s6, $0xb8;
	[tilespmem:$0x80E8] =	vst v63  }
0x61: {  	_ =	swait.ge [sflag:s7], $0x7D00  }
0x62: {  	[sflag:s7] =	ssyncset.done $0x0  }
0x63: {  	[sflag:s7] =	ssyncadd.s32 $0xFFFF8300  }
0x64: {  	[hbm4b:s12+s2] =	stream.linear.scatter [tilespmem:s6], [sflag:$0x2], $0x7D00, $0x38;
	[tilespmem:$0x80E8] =	vst v63  }
0x65: {  	_ =	swait.ge [sflag:s3], $0x7D00  }
0x66: {  	[sflag:s3] =	ssyncset.done $0x0  }
0x67: {  	[sflag:s3] =	ssyncadd.s32 $0xFFFF8300  }
0x68: {  	[tilespmem:s2], [sflag:$0x2] =	stream.linear.gather [hbm4b:s13+s2], $0x3E8, $0x38;
	[tilespmem:$0x80E8] =	vst v63  }
0x69: {  	_ =	swait.ge [sflag:s3], $0x3E8  }
0x6a: {  	[sflag:s3] =	ssyncset.done $0x0  }
0x6b: {  	[sflag:s3] =	ssyncadd.s32 $0xFFFFFC18  }
0x6c: {  	[tilespmem:s6], [sflag:$0x1] =	stream.indirect.gather [hbm4b:s5+s6], $0x20, s2, s6, $0xb8;
	[tilespmem:$0x80E8] =	vst v63  }
0x6d: {  	_ =	swait.ge [sflag:s7], $0x7D00  }
0x6e: {  	[sflag:s7] =	ssyncset.done $0x0  }
0x6f: {  	[sflag:s7] =	ssyncadd.s32 $0xFFFF8300  }
0x70: {  	[hbm4b:s14+s2] =	stream.linear.scatter [tilespmem:s6], [sflag:$0x2], $0x7D00, $0x38;
	[tilespmem:$0x80E8] =	vst v63  }
0x71: {  	_ =	swait.ge [sflag:s3], $0x7D00  }
0x72: {  	[sflag:s3] =	ssyncset.done $0x0  }
0x73: {  	[sflag:s3] =	ssyncadd.s32 $0xFFFF8300  }
0x74: {  	[tilespmem:s2], [sflag:$0x2] =	stream.linear.gather [hbm4b:s15+s2], $0x3E8, $0x38;
	[tilespmem:$0x80E8] =	vst v63  }
0x75: {  	_ =	swait.ge [sflag:s3], $0x3E8  }
0x76: {  	[sflag:s3] =	ssyncset.done $0x0  }
0x77: {  	[sflag:s3] =	ssyncadd.s32 $0xFFFFFC18  }
0x78: {  	[tilespmem:s6], [sflag:$0x1] =	stream.indirect.gather [hbm4b:s5+s6], $0x20, s2, s6, $0xb8;
	[tilespmem:$0x80E8] =	vst v63  }
0x79: {  	_ =	swait.ge [sflag:s7], $0x7D00  }
.Ltmp1:
0x7a: {  	[sflag:s7] =	ssyncset.done $0x0;
	(pc) =	sbr.rel @p0 .LBB2_1-.Ltmp1, $4  }
0x7b: {  	[sflag:s7] =	ssyncadd.s32 $0xFFFF8300  }
0x7c: {  	[hbm4b:s16+s2] =	stream.linear.scatter [tilespmem:s6], [sflag:$0x2], $0x7D00, $0x38;
	[tilespmem:$0x80E8] =	vst v63  }
0x7d: {  	_ =	swait.ge [sflag:s3], $0x7D00  }
0x7e: {  	[sflag:s3] =	ssyncset.done $0x0  }
.LBB2_2:
0x7f: {  	[sflag:s3] =	ssyncadd.s32 $0xFFFF8300  }
0x80: {  	_ =	sfence.sel $0x180000  }
0x81: {  	[bflag:$0x0] =	sbarrier.arrive $0xFFFF  }
0x82: {  	p0 =	sne.s32 s0, $0x0;
	_ =	strace $0x90000047  }
0x83: {  	s0 =	sadd.s32 @!p0 $0x100000, s1;
	[bflag:$0x2] =	sbarrier.arrive $0xFFFF  }
0x84: {  	[sflag:s0] =	ssyncadd.tile.s32 @!p0 $0x1;
	_ =	shalt  }
.Lfunc_end2:
_tile_overlayer_lowered:
.L_overlay_start_2:
0x85: {  	(tag) =	ssettag $0x2  }
0x86: {  	s0 =	rddreg [dreg:$0x0];
	s2 =	stileid.u32  }
0x87: {  	s1 =	rddreg [dreg:$0x1];
	p0 =	sne.s32 s2, $0x0  }
0x88: {  	s3 =	rddreg [dreg:$0x2];
	[bflag:$0x3] =	sbarrier.arrive $0xFFFF;
	s2 =	simm.s32 @!p0 $0x1C02  }
0x89: {  	[timem:s3], [sflag:s2] =	dma.local @!p0 [hbm:s0], s1  }
0x8a: {  	s0 =	simm.s32 @!p0 $0x2  }
0x8b: {  	_ =	swait.ge @!p0 [sflag:s0], s1  }
0x8c: {  	s1 =	ssub.s32 @!p0 $0x0, s1;
	[sflag:s0] =	ssyncset.done @!p0 $0x0  }
0x8d: {  	[sflag:s0] =	ssyncadd.s32 @!p0 s1  }
0x8e: {  	[bflag:$0x3] =	sbarrier.arrive $0xFFFF  }
0x8f: {  	_ =	shalt  }

</sc_bundles>
